<compile_context>
chip_gen: v7x
topology: tpu7x:2x2x1
jax: 0.10.2.dev20260603
libtpu: 0.0.44.dev20260713+nightly
codegen_flags: <defaults>
</compile_context>

<pallas_src>
import functools

import jax
import jax.numpy as jnp
from jax import lax
from jax.experimental import pallas as pl
from jax.experimental.pallas import tpu as pltpu
from jax.experimental.pallas import tpu_sc as plsc

_NB = 1000
_RB = 336
_C = 128


def _gelu_exact(x):
    return 0.5 * x * (1.0 + jax.lax.erf(x * 0.7071067811865475))


def _pre_kernel(mem_ref, feat_ref, gene_ref, mw1_ref, mb1_ref, mw2_ref,
                ones_ref, out_ref):
    nb = mem_ref.shape[0]
    g = gene_ref[...].reshape(nb * 8, 50)
    m = _gelu_exact(jnp.dot(g, mw1_ref[...],
                            preferred_element_type=jnp.float32) + mb1_ref[...])
    t8 = jnp.dot(m, mw2_ref[...], preferred_element_type=jnp.float32)
    a = jnp.dot(jnp.abs(g), ones_ref[...],
                preferred_element_type=jnp.float32)
    aug = jnp.concatenate([t8, a], axis=1)
    red = jnp.sum(aug.reshape(nb, 8, 51), axis=1)
    out_ref[:, :172] = mem_ref[...] + feat_ref[...]
    out_ref[:, 172:223] = red
    out_ref[:, 223:] = jnp.zeros((nb, 33), jnp.float32)


def _run_pre(memory, node_features, node_gene, merge_w1, merge_b1, merge_w2,
             interpret=False):
    N = memory.shape[0]
    grid = (N // _NB,)

    def w_spec(a):
        return pl.BlockSpec(a.shape, lambda i: (0,) * a.ndim)

    mb1 = merge_b1.reshape(1, -1)
    ones = jnp.ones((50, 1), jnp.float32)
    return pl.pallas_call(
        _pre_kernel,
        grid=grid,
        in_specs=[pl.BlockSpec((_NB, 172), lambda i: (i, 0)),
                  pl.BlockSpec((_NB, 172), lambda i: (i, 0)),
                  pl.BlockSpec((_NB, 8, 50), lambda i: (i, 0, 0)),
                  w_spec(merge_w1), w_spec(mb1), w_spec(merge_w2),
                  w_spec(ones)],
        out_specs=pl.BlockSpec((_NB, 256), lambda i: (i, 0)),
        out_shape=jax.ShapeDtypeStruct((N, 256), jnp.float32),
        interpret=interpret,
    )(memory, node_features, node_gene, merge_w1, mb1, merge_w2, ones)


def _sc_gather(table, idx):
    info = plsc.get_sparse_core_info()
    nw = info.num_cores * info.num_subcores
    R = idx.shape[0]
    per_w = R // nw
    n_chunks = per_w // _C
    mesh = plsc.VectorSubcoreMesh(core_axis_name="c", subcore_axis_name="s")

    @functools.partial(
        pl.kernel, mesh=mesh,
        out_type=jax.ShapeDtypeStruct((R, 256), jnp.float32),
        scratch_types=[pltpu.VMEM((_C,), jnp.int32),
                       pltpu.VMEM((_C, 256), jnp.float32),
                       pltpu.SemaphoreType.DMA],
        compiler_params=pltpu.CompilerParams(use_tc_tiling_on_sc=True),
    )
    def gather_k(table_hbm, idx_hbm, out_hbm, idx_v, rows_v, sem):
        wid = lax.axis_index("s") * info.num_cores + lax.axis_index("c")
        base = wid * per_w

        def body(g, carry):
            off = base + g * _C
            pltpu.sync_copy(idx_hbm.at[pl.ds(off, _C)], idx_v)
            pltpu.async_copy(table_hbm.at[idx_v], rows_v, sem).wait()
            pltpu.sync_copy(rows_v, out_hbm.at[pl.ds(off, _C)])
            return carry

        lax.fori_loop(0, n_chunks, body, 0)

    return gather_k(table, idx)


def _chain_kernel(row_ref,
                  mb2_ref,
                  ww1_ref, wb1_ref, ww2_ref, wb2_ref,
                  pc_ref, ps_ref, p2_ref,
                  out_ref):
    taw = row_ref[:, 172:222]
    mask = jnp.sign(row_ref[:, 222:223])
    temp0 = (taw + 8.0 * mb2_ref[...]) * mask
    r = (jnp.dot(_gelu_exact(jnp.dot(temp0, ww1_ref[...],
                                     preferred_element_type=jnp.float32)
                             + wb1_ref[...]),
                 ww2_ref[...], preferred_element_type=jnp.float32)
         + wb2_ref[...])
    fc = jnp.cos(r) * 0.05
    fs = jnp.sin(r) * 0.05
    t = (jnp.dot(fc, pc_ref[...], preferred_element_type=jnp.float32)
         + jnp.dot(fs, ps_ref[...], preferred_element_type=jnp.float32))
    emb = jnp.dot(_gelu_exact(t), p2_ref[...],
                  preferred_element_type=jnp.float32)
    full = jnp.concatenate([row_ref[:, :172], emb], axis=1)
    for s in range(out_ref.shape[0]):
        out_ref[s] = full[s * 21:(s + 1) * 21, :]


def _run_chain(rows, B,
               merge_b2,
               wr_w1, wr_b1, wr_w2, wr_b2, pe_w1, pe_w2, interpret=False):
    R = rows.shape[0]
    nsrc = _RB // 21
    grid = (R // _RB,)

    def w_spec(a):
        return pl.BlockSpec(a.shape, lambda i: (0,) * a.ndim)

    pe_cos = pe_w1[:200, :]
    pe_sin = pe_w1[200:, :]
    weights = [merge_b2.reshape(1, -1),
               wr_w1, wr_b1.reshape(1, -1),
               wr_w2, wr_b2.reshape(1, -1), pe_cos, pe_sin, pe_w2]
    return pl.pallas_call(
        _chain_kernel,
        grid=grid,
        in_specs=[pl.BlockSpec((_RB, 256), lambda i: (i, 0))]
        + [w_spec(w) for w in weights],
        out_specs=pl.BlockSpec((nsrc, 21, 572), lambda i: (i, 0, 0)),
        out_shape=jax.ShapeDtypeStruct((B, 21, 572), jnp.float32),
        interpret=interpret,
    )(rows, *weights)


def kernel(node_features, memory, node_gene, source_nodes, neighbors,
           merge_w1, merge_b1, merge_w2, merge_b2,
           wr_w1, wr_b1, wr_w2, wr_b2, pe_w1, pe_w2):
    B, Nn = neighbors.shape
    idx = jnp.concatenate([source_nodes[:, None], neighbors],
                          axis=1).reshape(-1).astype(jnp.int32)
    table = _run_pre(memory, node_features, node_gene, merge_w1, merge_b1,
                     merge_w2)
    rows = _sc_gather(table, idx)
    return _run_chain(rows, B,
                      merge_b2,
                      wr_w1, wr_b1, wr_w2, wr_b2, pe_w1, pe_w2)

# --- scband reference (transcript-rebuilt; emitter-appended) ---
"""Pipeline reference for scband-graph-embedding-72052371357806 (READ-ONLY COPY).

The authoritative reference and input builder live on the scoring server;
editing this copy changes nothing except your own understanding.
"""

import jax, jax.numpy as jnp
import numpy as np


def _gelu(x):
    return 0.5 * x * (1.0 + jax.lax.erf(x / jnp.sqrt(2.0)))


def setup_inputs(seed: int = 0) -> dict:
    key = jax.random.key(seed)
    ks = jax.random.split(key, 16)
    N, d, K, G, B, Nn = 100000, 172, 8, 50, 4096, 20
    inp = {}
    inp["node_features"] = jax.random.normal(ks[0], (N, d), dtype=jnp.float32)
    inp["memory"] = jax.random.normal(ks[1], (N, d), dtype=jnp.float32)
    inp["node_gene"] = jax.random.normal(ks[2], (N, K, G), dtype=jnp.float32)
    inp["source_nodes"] = jax.random.randint(ks[3], (B,), 0, N)
    inp["neighbors"] = jax.random.randint(ks[4], (B, Nn), 0, N)
    # Merge (MergeLayer_1): G(=n_gene=50) -> 172 -> 50
    inp["merge_w1"] = jax.random.normal(ks[5], (G, 172), dtype=jnp.float32) * 0.05
    inp["merge_b1"] = jnp.zeros((172,), dtype=jnp.float32)
    inp["merge_w2"] = jax.random.normal(ks[6], (172, 50), dtype=jnp.float32) * 0.05
    inp["merge_b2"] = jnp.zeros((50,), dtype=jnp.float32)
    # Wr: Linear(50,100) GELU Linear(100,200), second layer init std=4**-2
    inp["wr_w1"] = jax.random.normal(ks[7], (50, 100), dtype=jnp.float32) * 0.05
    inp["wr_b1"] = jnp.zeros((100,), dtype=jnp.float32)
    inp["wr_w2"] = jax.random.normal(ks[8], (100, 200), dtype=jnp.float32) * (4.0 ** -2)
    inp["wr_b2"] = jnp.zeros((200,), dtype=jnp.float32)
    # pe: Linear(400,200,no bias) GELU Linear(200,400,no bias)
    inp["pe_w1"] = jax.random.normal(ks[9], (400, 200), dtype=jnp.float32) * 0.05
    inp["pe_w2"] = jax.random.normal(ks[10], (200, 400), dtype=jnp.float32) * 0.05
    return inp


def _intention(temp, merge_w1, merge_b1, merge_w2, merge_b2,
               wr_w1, wr_b1, wr_w2, wr_b2, pe_w1, pe_w2):
    # temp: [..., K, G]. Faithful to mix_intention_sum / mix_intention_sum_d.
    mx = jnp.max(temp, axis=-1)
    mn = jnp.min(temp, axis=-1)
    temp_mask = jnp.sign(jnp.abs(mx) + jnp.abs(mn))[..., None] * jnp.ones((50,), dtype=temp.dtype)
    temp_mask_0 = jnp.sign(jnp.sum(temp_mask, axis=-2))  # [..., 50]
    merged = _gelu(temp @ merge_w1 + merge_b1) @ merge_w2 + merge_b2  # [..., K, 50]
    temp_0 = jnp.sum(merged, axis=-2) * temp_mask_0  # [..., 50]
    r = _gelu(temp_0 @ wr_w1 + wr_b1) @ wr_w2 + wr_b2  # [..., 200]
    F = (1.0 / np.sqrt(400.0)) * jnp.concatenate([jnp.cos(r), jnp.sin(r)], axis=-1)  # [..., 400]
    return _gelu(F @ pe_w1) @ pe_w2  # [..., 400]


def reference(node_features, memory, node_gene, source_nodes, neighbors,
              merge_w1, merge_b1, merge_w2, merge_b2,
              wr_w1, wr_b1, wr_w2, wr_b2, pe_w1, pe_w2):
    # source-node features: gather + memory add (use_memory=True)
    src_feat = jnp.take(memory, source_nodes, axis=0) + jnp.take(node_features, source_nodes, axis=0)  # [B, 172]
    S_s = _intention(jnp.take(node_gene, source_nodes, axis=0),
                     merge_w1, merge_b1, merge_w2, merge_b2,
                     wr_w1, wr_b1, wr_w2, wr_b2, pe_w1, pe_w2)  # [B, 400]
    src_emb = jnp.concatenate([src_feat, S_s], axis=1)  # [B, 572]
    # neighbor features (one recursion level, n_layers-1 == 0 path): gather + memory add
    nbr_feat = memory[neighbors] + node_features[neighbors]  # [B, Nn, 172]
    S_d = _intention(node_gene[neighbors],
                     merge_w1, merge_b1, merge_w2, merge_b2,
                     wr_w1, wr_b1, wr_w2, wr_b2, pe_w1, pe_w2)  # [B, Nn, 400]
    nbr_emb = jnp.concatenate([nbr_feat, S_d], axis=2)  # [B, Nn, 572]
    # stack source embedding with neighbor embeddings -> [B, 1+Nn, 572]
    return jnp.concatenate([src_emb[:, None, :], nbr_emb], axis=1)

if __name__ == "__main__":
    import jax
    _d = setup_inputs()
    print(jax.jit(kernel)(*tuple(_d.values())))

</pallas_src>

<mosaic_0001>
#map = affine_map<(d0, d1) -> (0, 0)>
#map1 = affine_map<(d0, d1) -> (0)>
module attributes {stable_mosaic.version = 14 : i64} {
  func.func @gather_k(%arg0: i32, %arg1: i32, %arg2: memref<100000x256xf32, #tpu.memory_space<hbm>>, %arg3: memref<86016xi32, #tpu.memory_space<hbm>>, %arg4: memref<86016x256xf32, #tpu.memory_space<hbm>>, %arg5: memref<128xi32, #tpu.memory_space<vmem>>, %arg6: memref<128x256xf32, #tpu.memory_space<vmem>>, %arg7: memref<!tpu.dma_semaphore, #tpu.memory_space<semaphore_mem>>) attributes {dimension_semantics = [#tpu.dimension_semantics<core_parallel>, #tpu.dimension_semantics<subcore_parallel>], iteration_bounds = array<i64: 2, 16>, scalar_prefetch = 0 : i64, scratch_operands = 3 : i64, tpu.core_type = #tpu.core_type<sc_vector_subcore>, window_params = [{transform_indices = #map}, {transform_indices = #map1}, {transform_indices = #map}]} {
    %mul3A = arith.constant 2 : i32
    %mul3A_0 = arith.muli %arg1, %mul3A : i32
    %add3A = arith.addi %mul3A_0, %arg0 : i32
    %mul3A_1 = arith.constant 2688 : i32
    %mul3A_2 = arith.muli %add3A, %mul3A_1 : i32
    %scan3A = arith.constant 0 : i32
    %scan3A_3 = arith.constant 0 : i32
    %scan3A_4 = arith.constant 21 : i32
    %scan3A_5 = arith.addi %scan3A_3, %scan3A_4 : i32
    %scan3A_6 = arith.constant 1 : i32
    scf.for %scan3A_8 = %scan3A_3 to %scan3A_5 step %scan3A_6  : i32 {
      %mul3A_9 = arith.constant 128 : i32
      %mul3A_10 = arith.muli %scan3A_8, %mul3A_9 : i32
      %add3A_11 = arith.addi %mul3A_2, %mul3A_10 : i32
      "tpu.region"() ({
        %run_scoped3A = tpu.sem_alloc : memref<!tpu.dma_semaphore, #tpu.memory_space<semaphore_mem>>
        %dma_start3A_16 = tpu.memref_slice %arg3[%add3A_11] : memref<86016xi32, #tpu.memory_space<hbm>> -> memref<128xi32, #tpu.memory_space<hbm>>
        %dma_start3A_17 = tpu.memref_slice %arg3[%add3A_11] : memref<86016xi32, #tpu.memory_space<hbm>> -> memref<128xi32, #tpu.memory_space<hbm>>
        tpu.enqueue_dma source(%dma_start3A_17 : memref<128xi32, #tpu.memory_space<hbm>>) target(%arg5 : memref<128xi32, #tpu.memory_space<vmem>>) target_semaphore(%run_scoped3A : memref<!tpu.dma_semaphore, #tpu.memory_space<semaphore_mem>>)
        %dma_wait3A_18 = tpu.memref_slice %arg3[%add3A_11] : memref<86016xi32, #tpu.memory_space<hbm>> -> memref<128xi32, #tpu.memory_space<hbm>>
        %dma_wait3A_19 = tpu.memref_slice %arg3[%add3A_11] : memref<86016xi32, #tpu.memory_space<hbm>> -> memref<128xi32, #tpu.memory_space<hbm>>
        tpu.wait_dma2 semaphore(%run_scoped3A : memref<!tpu.dma_semaphore, #tpu.memory_space<semaphore_mem>>) src(%dma_wait3A_19 : memref<128xi32, #tpu.memory_space<hbm>>) dst(%arg5 : memref<128xi32, #tpu.memory_space<vmem>>)
        tpu.yield
      }) : () -> ()
      %dma_start3A = arith.constant 0 : i32
      %dma_start3A_12 = arith.constant 0 : i32
      %dma_start3A_13 = tpu.memref_slice %arg2[%dma_start3A, %dma_start3A_12] : memref<100000x256xf32, #tpu.memory_space<hbm>> -> memref<100000x256xf32, #tpu.memory_space<hbm>>
      tpu.enqueue_indirect_dma source(%dma_start3A_13 : memref<100000x256xf32, #tpu.memory_space<hbm>>) target(%arg6 : memref<128x256xf32, #tpu.memory_space<vmem>>) offsets(%arg5 : memref<128xi32, #tpu.memory_space<vmem>>) semaphore(%arg7 : memref<!tpu.dma_semaphore, #tpu.memory_space<semaphore_mem>>)
      %dma_wait3A = arith.constant 0 : i32
      %dma_wait3A_14 = arith.constant 0 : i32
      %dma_wait3A_15 = tpu.memref_slice %arg2[%dma_wait3A, %dma_wait3A_14] : memref<100000x256xf32, #tpu.memory_space<hbm>> -> memref<100000x256xf32, #tpu.memory_space<hbm>>
      tpu.wait_indirect_dma semaphore(%arg7 : memref<!tpu.dma_semaphore, #tpu.memory_space<semaphore_mem>>) src(%dma_wait3A_15 : memref<100000x256xf32, #tpu.memory_space<hbm>>) dst(%arg6 : memref<128x256xf32, #tpu.memory_space<vmem>>)
      "tpu.region"() ({
        %run_scoped3A = tpu.sem_alloc : memref<!tpu.dma_semaphore, #tpu.memory_space<semaphore_mem>>
        %dma_start3A_16 = arith.constant 0 : i32
        %dma_start3A_17 = tpu.memref_slice %arg4[%add3A_11, %dma_start3A_16] : memref<86016x256xf32, #tpu.memory_space<hbm>> -> memref<128x256xf32, #tpu.memory_space<hbm>>
        %dma_start3A_18 = arith.constant 0 : i32
        %dma_start3A_19 = tpu.memref_slice %arg4[%add3A_11, %dma_start3A_18] : memref<86016x256xf32, #tpu.memory_space<hbm>> -> memref<128x256xf32, #tpu.memory_space<hbm>>
        tpu.enqueue_dma source(%arg6 : memref<128x256xf32, #tpu.memory_space<vmem>>) target(%dma_start3A_19 : memref<128x256xf32, #tpu.memory_space<hbm>>) target_semaphore(%run_scoped3A : memref<!tpu.dma_semaphore, #tpu.memory_space<semaphore_mem>>)
        %dma_wait3A_20 = arith.constant 0 : i32
        %dma_wait3A_21 = tpu.memref_slice %arg4[%add3A_11, %dma_wait3A_20] : memref<86016x256xf32, #tpu.memory_space<hbm>> -> memref<128x256xf32, #tpu.memory_space<hbm>>
        %dma_wait3A_22 = arith.constant 0 : i32
        %dma_wait3A_23 = tpu.memref_slice %arg4[%add3A_11, %dma_wait3A_22] : memref<86016x256xf32, #tpu.memory_space<hbm>> -> memref<128x256xf32, #tpu.memory_space<hbm>>
        tpu.wait_dma2 semaphore(%run_scoped3A : memref<!tpu.dma_semaphore, #tpu.memory_space<semaphore_mem>>) src(%arg6 : memref<128x256xf32, #tpu.memory_space<vmem>>) dst(%dma_wait3A_23 : memref<128x256xf32, #tpu.memory_space<hbm>>)
        tpu.yield
      }) : () -> ()
    }
    %scan3A_7 = arith.constant 21 : i32
    return
  }
}

module attributes {stable_mosaic.version = 14 : i64} {
  func.func @_pre_kernel(%arg0: i32, %arg1: memref<1000x172xf32, #tpu.memory_space<vmem>>, %arg2: memref<1000x172xf32, #tpu.memory_space<vmem>>, %arg3: memref<1000x8x50xf32, #tpu.memory_space<vmem>>, %arg4: memref<50x172xf32, #tpu.memory_space<vmem>>, %arg5: memref<1x172xf32, #tpu.memory_space<vmem>>, %arg6: memref<172x50xf32, #tpu.memory_space<vmem>>, %arg7: memref<50x1xf32, #tpu.memory_space<vmem>>, %arg8: memref<1000x256xf32, #tpu.memory_space<vmem>>) attributes {dimension_semantics = [#tpu.dimension_semantics<arbitrary>], iteration_bounds = array<i64: 100>, scalar_prefetch = 0 : i64, scratch_operands = 0 : i64, tpu.core_type = #tpu.core_type<tc>, window_params = [{transform_indices = @transform_0, window_bounds = array<i64: 1000, 172>}, {transform_indices = @transform_1, window_bounds = array<i64: 1000, 172>}, {transform_indices = @transform_2, window_bounds = array<i64: 1000, 8, 50>}, {pipeline_mode = #tpu.pipeline_mode<synchronous>, transform_indices = @transform_3, window_bounds = array<i64: 50, 172>}, {pipeline_mode = #tpu.pipeline_mode<synchronous>, transform_indices = @transform_4, window_bounds = array<i64: 1, 172>}, {pipeline_mode = #tpu.pipeline_mode<synchronous>, transform_indices = @transform_5, window_bounds = array<i64: 172, 50>}, {pipeline_mode = #tpu.pipeline_mode<synchronous>, transform_indices = @transform_6, window_bounds = array<i64: 50, 1>}, {transform_indices = @transform_7, window_bounds = array<i64: 1000, 256>}]} {
    %get3A = arith.constant 0 : index
    %get3A_0 = arith.constant 0 : index
    %get3A_1 = arith.constant 0 : index
    %get3A_2 = vector.load %arg3[%get3A, %get3A_0, %get3A_1] : memref<1000x8x50xf32, #tpu.memory_space<vmem>>, vector<1000x8x50xf32>
    %reshape3A = vector.shape_cast %get3A_2 : vector<1000x8x50xf32> to vector<8000x50xf32>
    %get3A_3 = arith.constant 0 : index
    %get3A_4 = arith.constant 0 : index
    %get3A_5 = vector.load %arg4[%get3A_3, %get3A_4] : memref<50x172xf32, #tpu.memory_space<vmem>>, vector<50x172xf32>
    %dot_general3A = arith.constant dense<0.000000e+00> : vector<8000x172xf32>
    %dot_general3A_6 = tpu.matmul %reshape3A, %get3A_5, %dot_general3A {dimension_numbers = #tpu.dot_dimension_numbers<[1], [0], [0], [1], [0, 0, 1, 1], [], []>, transpose_lhs_hint = false} : vector<8000x50xf32>, vector<50x172xf32>, vector<8000x172xf32> -> vector<8000x172xf32>
    %get3A_7 = arith.constant 0 : index
    %get3A_8 = arith.constant 0 : index
    %get3A_9 = vector.load %arg5[%get3A_7, %get3A_8] : memref<1x172xf32, #tpu.memory_space<vmem>>, vector<1x172xf32>
    %add3A = vector.broadcast %get3A_9 : vector<1x172xf32> to vector<8000x172xf32>
    %add3A_10 = arith.addf %dot_general3A_6, %add3A : vector<8000x172xf32>
    %mul3A = arith.constant 5.000000e-01 : f32
    %mul3A_11 = vector.broadcast %mul3A : f32 to vector<8000x172xf32>
    %mul3A_12 = arith.mulf %mul3A_11, %add3A_10 : vector<8000x172xf32>
    %mul3A_13 = arith.constant 0.707106769 : f32
    %mul3A_14 = vector.broadcast %mul3A_13 : f32 to vector<8000x172xf32>
    %mul3A_15 = arith.mulf %add3A_10, %mul3A_14 : vector<8000x172xf32>
    %erf3A = math.erf %mul3A_15 : vector<8000x172xf32>
    %add3A_16 = arith.constant 1.000000e+00 : f32
    %add3A_17 = vector.broadcast %add3A_16 : f32 to vector<8000x172xf32>
    %add3A_18 = arith.addf %add3A_17, %erf3A : vector<8000x172xf32>
    %mul3A_19 = arith.mulf %mul3A_12, %add3A_18 : vector<8000x172xf32>
    %get3A_20 = arith.constant 0 : index
    %get3A_21 = arith.constant 0 : index
    %get3A_22 = vector.load %arg6[%get3A_20, %get3A_21] : memref<172x50xf32, #tpu.memory_space<vmem>>, vector<172x50xf32>
    %dot_general3A_23 = arith.constant dense<0.000000e+00> : vector<8000x50xf32>
    %dot_general3A_24 = tpu.matmul %mul3A_19, %get3A_22, %dot_general3A_23 {dimension_numbers = #tpu.dot_dimension_numbers<[1], [0], [0], [1], [0, 0, 1, 1], [], []>, transpose_lhs_hint = false} : vector<8000x172xf32>, vector<172x50xf32>, vector<8000x50xf32> -> vector<8000x50xf32>
    %abs3A = math.absf %reshape3A : vector<8000x50xf32>
    %get3A_25 = arith.constant 0 : index
    %get3A_26 = arith.constant 0 : index
    %get3A_27 = vector.load %arg7[%get3A_25, %get3A_26] : memref<50x1xf32, #tpu.memory_space<vmem>>, vector<50x1xf32>
    %dot_general3A_28 = arith.constant dense<0.000000e+00> : vector<8000x1xf32>
    %dot_general3A_29 = tpu.matmul %abs3A, %get3A_27, %dot_general3A_28 {dimension_numbers = #tpu.dot_dimension_numbers<[1], [0], [0], [1], [0, 0, 1, 1], [], []>, transpose_lhs_hint = false} : vector<8000x50xf32>, vector<50x1xf32>, vector<8000x1xf32> -> vector<8000x1xf32>
    %concatenate3A = tpu.concatenate %dot_general3A_24, %dot_general3A_29 in 1 : vector<8000x50xf32>, vector<8000x1xf32> -> vector<8000x51xf32>
    %reshape3A_30 = vector.shape_cast %concatenate3A : vector<8000x51xf32> to vector<1000x8x51xf32>
    %reduce_sum3A = arith.constant dense<0.000000e+00> : vector<1000x51xf32>
    %reduce_sum3A_31 = vector.multi_reduction <add>, %reshape3A_30, %reduce_sum3A [1] : vector<1000x8x51xf32> to vector<1000x51xf32>
    %get3A_32 = arith.constant 0 : index
    %get3A_33 = arith.constant 0 : index
    %get3A_34 = vector.load %arg1[%get3A_32, %get3A_33] : memref<1000x172xf32, #tpu.memory_space<vmem>>, vector<1000x172xf32>
    %get3A_35 = arith.constant 0 : index
    %get3A_36 = arith.constant 0 : index
    %get3A_37 = vector.load %arg2[%get3A_35, %get3A_36] : memref<1000x172xf32, #tpu.memory_space<vmem>>, vector<1000x172xf32>
    %add3A_38 = arith.addf %get3A_34, %get3A_37 : vector<1000x172xf32>
    %swap3A = arith.constant 0 : index
    %swap3A_39 = arith.constant 0 : index
    %swap3A_40 = vector.load %arg8[%swap3A, %swap3A_39] : memref<1000x256xf32, #tpu.memory_space<vmem>>, vector<1000x172xf32>
    tpu.vector_store %arg8[%swap3A, %swap3A_39], %add3A_38 {strides = array<i32>} : memref<1000x256xf32, #tpu.memory_space<vmem>>, vector<1000x172xf32>,
    %swap3A_41 = arith.constant 0 : index
    %swap3A_42 = arith.constant 172 : index
    %swap3A_43 = vector.load %arg8[%swap3A_41, %swap3A_42] : memref<1000x256xf32, #tpu.memory_space<vmem>>, vector<1000x51xf32>
    tpu.vector_store %arg8[%swap3A_41, %swap3A_42], %reduce_sum3A_31 {strides = array<i32>} : memref<1000x256xf32, #tpu.memory_space<vmem>>, vector<1000x51xf32>,
    %broadcast_in_dim3A = arith.constant 0.000000e+00 : f32
    %broadcast_in_dim3A_44 = vector.broadcast %broadcast_in_dim3A : f32 to vector<1000x33xf32>
    %swap3A_45 = arith.constant 0 : index
    %swap3A_46 = arith.constant 223 : index
    %swap3A_47 = vector.load %arg8[%swap3A_45, %swap3A_46] : memref<1000x256xf32, #tpu.memory_space<vmem>>, vector<1000x33xf32>
    tpu.vector_store %arg8[%swap3A_45, %swap3A_46], %broadcast_in_dim3A_44 {strides = array<i32>} : memref<1000x256xf32, #tpu.memory_space<vmem>>, vector<1000x33xf32>,
    return
  }
  func.func @transform_0(%arg0: i32) -> (i32, i32) {
    %c0_i32 = arith.constant 0 : i32
    %c0_i32_0 = arith.constant 0 : i32
    return %arg0, %c0_i32 : i32, i32
  }
  func.func @transform_1(%arg0: i32) -> (i32, i32) {
    %c0_i32 = arith.constant 0 : i32
    %c0_i32_0 = arith.constant 0 : i32
    return %arg0, %c0_i32 : i32, i32
  }
  func.func @transform_2(%arg0: i32) -> (i32, i32, i32) {
    %c0_i32 = arith.constant 0 : i32
    %c0_i32_0 = arith.constant 0 : i32
    %c0_i32_1 = arith.constant 0 : i32
    return %arg0, %c0_i32, %c0_i32_0 : i32, i32, i32
  }
  func.func @transform_3(%arg0: i32) -> (i32, i32) {
    %c0_i32 = arith.constant 0 : i32
    %c0_i32_0 = arith.constant 0 : i32
    %c0_i32_1 = arith.constant 0 : i32
    return %c0_i32, %c0_i32_0 : i32, i32
  }
  func.func @transform_4(%arg0: i32) -> (i32, i32) {
    %c0_i32 = arith.constant 0 : i32
    %c0_i32_0 = arith.constant 0 : i32
    %c0_i32_1 = arith.constant 0 : i32
    return %c0_i32, %c0_i32_0 : i32, i32
  }
  func.func @transform_5(%arg0: i32) -> (i32, i32) {
    %c0_i32 = arith.constant 0 : i32
    %c0_i32_0 = arith.constant 0 : i32
    %c0_i32_1 = arith.constant 0 : i32
    return %c0_i32, %c0_i32_0 : i32, i32
  }
  func.func @transform_6(%arg0: i32) -> (i32, i32) {
    %c0_i32 = arith.constant 0 : i32
    %c0_i32_0 = arith.constant 0 : i32
    %c0_i32_1 = arith.constant 0 : i32
    return %c0_i32, %c0_i32_0 : i32, i32
  }
  func.func @transform_7(%arg0: i32) -> (i32, i32) {
    %c0_i32 = arith.constant 0 : i32
    %c0_i32_0 = arith.constant 0 : i32
    return %arg0, %c0_i32 : i32, i32
  }
}

module attributes {stable_mosaic.version = 14 : i64} {
  func.func @_chain_kernel(%arg0: i32, %arg1: memref<336x256xf32, #tpu.memory_space<vmem>>, %arg2: memref<1x50xf32, #tpu.memory_space<vmem>>, %arg3: memref<50x100xf32, #tpu.memory_space<vmem>>, %arg4: memref<1x100xf32, #tpu.memory_space<vmem>>, %arg5: memref<100x200xf32, #tpu.memory_space<vmem>>, %arg6: memref<1x200xf32, #tpu.memory_space<vmem>>, %arg7: memref<200x200xf32, #tpu.memory_space<vmem>>, %arg8: memref<200x200xf32, #tpu.memory_space<vmem>>, %arg9: memref<200x400xf32, #tpu.memory_space<vmem>>, %arg10: memref<16x21x572xf32, #tpu.memory_space<vmem>>) attributes {dimension_semantics = [#tpu.dimension_semantics<arbitrary>], iteration_bounds = array<i64: 256>, scalar_prefetch = 0 : i64, scratch_operands = 0 : i64, tpu.core_type = #tpu.core_type<tc>, window_params = [{transform_indices = @transform_0, window_bounds = array<i64: 336, 256>}, {pipeline_mode = #tpu.pipeline_mode<synchronous>, transform_indices = @transform_1, window_bounds = array<i64: 1, 50>}, {pipeline_mode = #tpu.pipeline_mode<synchronous>, transform_indices = @transform_2, window_bounds = array<i64: 50, 100>}, {pipeline_mode = #tpu.pipeline_mode<synchronous>, transform_indices = @transform_3, window_bounds = array<i64: 1, 100>}, {pipeline_mode = #tpu.pipeline_mode<synchronous>, transform_indices = @transform_4, window_bounds = array<i64: 100, 200>}, {pipeline_mode = #tpu.pipeline_mode<synchronous>, transform_indices = @transform_5, window_bounds = array<i64: 1, 200>}, {pipeline_mode = #tpu.pipeline_mode<synchronous>, transform_indices = @transform_6, window_bounds = array<i64: 200, 200>}, {pipeline_mode = #tpu.pipeline_mode<synchronous>, transform_indices = @transform_7, window_bounds = array<i64: 200, 200>}, {pipeline_mode = #tpu.pipeline_mode<synchronous>, transform_indices = @transform_8, window_bounds = array<i64: 200, 400>}, {transform_indices = @transform_9, window_bounds = array<i64: 16, 21, 572>}]} {
    %get3A = arith.constant 0 : index
    %get3A_0 = arith.constant 172 : index
    %get3A_1 = vector.load %arg1[%get3A, %get3A_0] : memref<336x256xf32, #tpu.memory_space<vmem>>, vector<336x50xf32>
    %get3A_2 = arith.constant 0 : index
    %get3A_3 = arith.constant 222 : index
    %get3A_4 = vector.load %arg1[%get3A_2, %get3A_3] : memref<336x256xf32, #tpu.memory_space<vmem>>, vector<336x1xf32>
    %sign3A = tpu.bitcast %get3A_4 : vector<336x1xf32> -> vector<336x1xi32>
    %sign3A_5 = arith.constant -2147483648 : i32
    %sign3A_6 = vector.broadcast %sign3A_5 : i32 to vector<336x1xi32>
    %sign3A_7 = arith.andi %sign3A, %sign3A_6 : vector<336x1xi32>
    %sign3A_8 = arith.constant 1065353216 : i32
    %sign3A_9 = vector.broadcast %sign3A_8 : i32 to vector<336x1xi32>
    %sign3A_10 = arith.ori %sign3A_9, %sign3A_7 : vector<336x1xi32>
    %sign3A_11 = tpu.bitcast %sign3A_10 : vector<336x1xi32> -> vector<336x1xf32>
    %sign3A_12 = math.absf %get3A_4 : vector<336x1xf32>
    %sign3A_13 = arith.constant 0.000000e+00 : f32
    %sign3A_14 = vector.broadcast %sign3A_13 : f32 to vector<336x1xf32>
    %sign3A_15 = arith.cmpf ogt, %sign3A_12, %sign3A_14 : vector<336x1xf32>
    %sign3A_16 = arith.select %sign3A_15, %sign3A_11, %get3A_4 : vector<336x1xi1>, vector<336x1xf32>
    %get3A_17 = arith.constant 0 : index
    %get3A_18 = arith.constant 0 : index
    %get3A_19 = vector.load %arg2[%get3A_17, %get3A_18] : memref<1x50xf32, #tpu.memory_space<vmem>>, vector<1x50xf32>
    %mul3A = arith.constant 8.000000e+00 : f32
    %mul3A_20 = vector.broadcast %mul3A : f32 to vector<1x50xf32>
    %mul3A_21 = arith.mulf %mul3A_20, %get3A_19 : vector<1x50xf32>
    %add3A = vector.broadcast %mul3A_21 : vector<1x50xf32> to vector<336x50xf32>
    %add3A_22 = arith.addf %get3A_1, %add3A : vector<336x50xf32>
    %mul3A_23 = vector.broadcast %sign3A_16 : vector<336x1xf32> to vector<336x50xf32>
    %mul3A_24 = arith.mulf %add3A_22, %mul3A_23 : vector<336x50xf32>
    %get3A_25 = arith.constant 0 : index
    %get3A_26 = arith.constant 0 : index
    %get3A_27 = vector.load %arg3[%get3A_25, %get3A_26] : memref<50x100xf32, #tpu.memory_space<vmem>>, vector<50x100xf32>
    %dot_general3A = arith.constant dense<0.000000e+00> : vector<336x100xf32>
    %dot_general3A_28 = tpu.matmul %mul3A_24, %get3A_27, %dot_general3A {dimension_numbers = #tpu.dot_dimension_numbers<[1], [0], [0], [1], [0, 0, 1, 1], [], []>, transpose_lhs_hint = false} : vector<336x50xf32>, vector<50x100xf32>, vector<336x100xf32> -> vector<336x100xf32>
    %get3A_29 = arith.constant 0 : index
    %get3A_30 = arith.constant 0 : index
    %get3A_31 = vector.load %arg4[%get3A_29, %get3A_30] : memref<1x100xf32, #tpu.memory_space<vmem>>, vector<1x100xf32>
    %add3A_32 = vector.broadcast %get3A_31 : vector<1x100xf32> to vector<336x100xf32>
    %add3A_33 = arith.addf %dot_general3A_28, %add3A_32 : vector<336x100xf32>
    %mul3A_34 = arith.constant 5.000000e-01 : f32
    %mul3A_35 = vector.broadcast %mul3A_34 : f32 to vector<336x100xf32>
    %mul3A_36 = arith.mulf %mul3A_35, %add3A_33 : vector<336x100xf32>
    %mul3A_37 = arith.constant 0.707106769 : f32
    %mul3A_38 = vector.broadcast %mul3A_37 : f32 to vector<336x100xf32>
    %mul3A_39 = arith.mulf %add3A_33, %mul3A_38 : vector<336x100xf32>
    %erf3A = math.erf %mul3A_39 : vector<336x100xf32>
    %add3A_40 = arith.constant 1.000000e+00 : f32
    %add3A_41 = vector.broadcast %add3A_40 : f32 to vector<336x100xf32>
    %add3A_42 = arith.addf %add3A_41, %erf3A : vector<336x100xf32>
    %mul3A_43 = arith.mulf %mul3A_36, %add3A_42 : vector<336x100xf32>
    %get3A_44 = arith.constant 0 : index
    %get3A_45 = arith.constant 0 : index
    %get3A_46 = vector.load %arg5[%get3A_44, %get3A_45] : memref<100x200xf32, #tpu.memory_space<vmem>>, vector<100x200xf32>
    %dot_general3A_47 = arith.constant dense<0.000000e+00> : vector<336x200xf32>
    %dot_general3A_48 = tpu.matmul %mul3A_43, %get3A_46, %dot_general3A_47 {dimension_numbers = #tpu.dot_dimension_numbers<[1], [0], [0], [1], [0, 0, 1, 1], [], []>, transpose_lhs_hint = false} : vector<336x100xf32>, vector<100x200xf32>, vector<336x200xf32> -> vector<336x200xf32>
    %get3A_49 = arith.constant 0 : index
    %get3A_50 = arith.constant 0 : index
    %get3A_51 = vector.load %arg6[%get3A_49, %get3A_50] : memref<1x200xf32, #tpu.memory_space<vmem>>, vector<1x200xf32>
    %add3A_52 = vector.broadcast %get3A_51 : vector<1x200xf32> to vector<336x200xf32>
    %add3A_53 = arith.addf %dot_general3A_48, %add3A_52 : vector<336x200xf32>
    %cos3A = math.cos %add3A_53 : vector<336x200xf32>
    %mul3A_54 = arith.constant 5.000000e-02 : f32
    %mul3A_55 = vector.broadcast %mul3A_54 : f32 to vector<336x200xf32>
    %mul3A_56 = arith.mulf %cos3A, %mul3A_55 : vector<336x200xf32>
    %sin3A = math.sin %add3A_53 : vector<336x200xf32>
    %mul3A_57 = arith.constant 5.000000e-02 : f32
    %mul3A_58 = vector.broadcast %mul3A_57 : f32 to vector<336x200xf32>
    %mul3A_59 = arith.mulf %sin3A, %mul3A_58 : vector<336x200xf32>
    %get3A_60 = arith.constant 0 : index
    %get3A_61 = arith.constant 0 : index
    %get3A_62 = vector.load %arg7[%get3A_60, %get3A_61] : memref<200x200xf32, #tpu.memory_space<vmem>>, vector<200x200xf32>
    %dot_general3A_63 = arith.constant dense<0.000000e+00> : vector<336x200xf32>
    %dot_general3A_64 = tpu.matmul %mul3A_56, %get3A_62, %dot_general3A_63 {dimension_numbers = #tpu.dot_dimension_numbers<[1], [0], [0], [1], [0, 0, 1, 1], [], []>, transpose_lhs_hint = false} : vector<336x200xf32>, vector<200x200xf32>, vector<336x200xf32> -> vector<336x200xf32>
    %get3A_65 = arith.constant 0 : index
    %get3A_66 = arith.constant 0 : index
    %get3A_67 = vector.load %arg8[%get3A_65, %get3A_66] : memref<200x200xf32, #tpu.memory_space<vmem>>, vector<200x200xf32>
    %dot_general3A_68 = arith.constant dense<0.000000e+00> : vector<336x200xf32>
    %dot_general3A_69 = tpu.matmul %mul3A_59, %get3A_67, %dot_general3A_68 {dimension_numbers = #tpu.dot_dimension_numbers<[1], [0], [0], [1], [0, 0, 1, 1], [], []>, transpose_lhs_hint = false} : vector<336x200xf32>, vector<200x200xf32>, vector<336x200xf32> -> vector<336x200xf32>
    %add3A_70 = arith.addf %dot_general3A_64, %dot_general3A_69 : vector<336x200xf32>
    %mul3A_71 = arith.constant 5.000000e-01 : f32
    %mul3A_72 = vector.broadcast %mul3A_71 : f32 to vector<336x200xf32>
    %mul3A_73 = arith.mulf %mul3A_72, %add3A_70 : vector<336x200xf32>
    %mul3A_74 = arith.constant 0.707106769 : f32
    %mul3A_75 = vector.broadcast %mul3A_74 : f32 to vector<336x200xf32>
    %mul3A_76 = arith.mulf %add3A_70, %mul3A_75 : vector<336x200xf32>
    %erf3A_77 = math.erf %mul3A_76 : vector<336x200xf32>
    %add3A_78 = arith.constant 1.000000e+00 : f32
    %add3A_79 = vector.broadcast %add3A_78 : f32 to vector<336x200xf32>
    %add3A_80 = arith.addf %add3A_79, %erf3A_77 : vector<336x200xf32>
    %mul3A_81 = arith.mulf %mul3A_73, %add3A_80 : vector<336x200xf32>
    %get3A_82 = arith.constant 0 : index
    %get3A_83 = arith.constant 0 : index
    %get3A_84 = vector.load %arg9[%get3A_82, %get3A_83] : memref<200x400xf32, #tpu.memory_space<vmem>>, vector<200x400xf32>
    %dot_general3A_85 = arith.constant dense<0.000000e+00> : vector<336x400xf32>
    %dot_general3A_86 = tpu.matmul %mul3A_81, %get3A_84, %dot_general3A_85 {dimension_numbers = #tpu.dot_dimension_numbers<[1], [0], [0], [1], [0, 0, 1, 1], [], []>, transpose_lhs_hint = false} : vector<336x200xf32>, vector<200x400xf32>, vector<336x400xf32> -> vector<336x400xf32>
    %get3A_87 = arith.constant 0 : index
    %get3A_88 = arith.constant 0 : index
    %get3A_89 = vector.load %arg1[%get3A_87, %get3A_88] : memref<336x256xf32, #tpu.memory_space<vmem>>, vector<336x172xf32>
    %concatenate3A = tpu.concatenate %get3A_89, %dot_general3A_86 in 1 : vector<336x172xf32>, vector<336x400xf32> -> vector<336x572xf32>
    %slice3A = vector.extract_strided_slice %concatenate3A {offsets = [0, 0], sizes = [21, 572], strides = [1, 1]} : vector<336x572xf32> to vector<21x572xf32>
    %swap3A = arith.constant 0 : index
    %swap3A_90 = arith.constant 0 : index
    %swap3A_91 = arith.constant 0 : index
    %swap3A_92 = vector.load %arg10[%swap3A, %swap3A_90, %swap3A_91] : memref<16x21x572xf32, #tpu.memory_space<vmem>>, vector<1x21x572xf32>
    %swap3A_93 = vector.shape_cast %swap3A_92 : vector<1x21x572xf32> to vector<21x572xf32>
    %swap3A_94 = vector.shape_cast %slice3A : vector<21x572xf32> to vector<1x21x572xf32>
    tpu.vector_store %arg10[%swap3A, %swap3A_90, %swap3A_91], %swap3A_94 {strides = array<i32>} : memref<16x21x572xf32, #tpu.memory_space<vmem>>, vector<1x21x572xf32>,
    %slice3A_95 = vector.extract_strided_slice %concatenate3A {offsets = [21, 0], sizes = [21, 572], strides = [1, 1]} : vector<336x572xf32> to vector<21x572xf32>
    %swap3A_96 = arith.constant 1 : index
    %swap3A_97 = arith.constant 0 : index
    %swap3A_98 = arith.constant 0 : index
    %swap3A_99 = vector.load %arg10[%swap3A_96, %swap3A_97, %swap3A_98] : memref<16x21x572xf32, #tpu.memory_space<vmem>>, vector<1x21x572xf32>
    %swap3A_100 = vector.shape_cast %swap3A_99 : vector<1x21x572xf32> to vector<21x572xf32>
    %swap3A_101 = vector.shape_cast %slice3A_95 : vector<21x572xf32> to vector<1x21x572xf32>
    tpu.vector_store %arg10[%swap3A_96, %swap3A_97, %swap3A_98], %swap3A_101 {strides = array<i32>} : memref<16x21x572xf32, #tpu.memory_space<vmem>>, vector<1x21x572xf32>,
    %slice3A_102 = vector.extract_strided_slice %concatenate3A {offsets = [42, 0], sizes = [21, 572], strides = [1, 1]} : vector<336x572xf32> to vector<21x572xf32>
    %swap3A_103 = arith.constant 2 : index
    %swap3A_104 = arith.constant 0 : index
    %swap3A_105 = arith.constant 0 : index
    %swap3A_106 = vector.load %arg10[%swap3A_103, %swap3A_104, %swap3A_105] : memref<16x21x572xf32, #tpu.memory_space<vmem>>, vector<1x21x572xf32>
    %swap3A_107 = vector.shape_cast %swap3A_106 : vector<1x21x572xf32> to vector<21x572xf32>
    %swap3A_108 = vector.shape_cast %slice3A_102 : vector<21x572xf32> to vector<1x21x572xf32>
    tpu.vector_store %arg10[%swap3A_103, %swap3A_104, %swap3A_105], %swap3A_108 {strides = array<i32>} : memref<16x21x572xf32, #tpu.memory_space<vmem>>, vector<1x21x572xf32>,
    %slice3A_109 = vector.extract_strided_slice %concatenate3A {offsets = [63, 0], sizes = [21, 572], strides = [1, 1]} : vector<336x572xf32> to vector<21x572xf32>
    %swap3A_110 = arith.constant 3 : index
    %swap3A_111 = arith.constant 0 : index
    %swap3A_112 = arith.constant 0 : index
    %swap3A_113 = vector.load %arg10[%swap3A_110, %swap3A_111, %swap3A_112] : memref<16x21x572xf32, #tpu.memory_space<vmem>>, vector<1x21x572xf32>
    %swap3A_114 = vector.shape_cast %swap3A_113 : vector<1x21x572xf32> to vector<21x572xf32>
    %swap3A_115 = vector.shape_cast %slice3A_109 : vector<21x572xf32> to vector<1x21x572xf32>
    tpu.vector_store %arg10[%swap3A_110, %swap3A_111, %swap3A_112], %swap3A_115 {strides = array<i32>} : memref<16x21x572xf32, #tpu.memory_space<vmem>>, vector<1x21x572xf32>,
    %slice3A_116 = vector.extract_strided_slice %concatenate3A {offsets = [84, 0], sizes = [21, 572], strides = [1, 1]} : vector<336x572xf32> to vector<21x572xf32>
    %swap3A_117 = arith.constant 4 : index
    %swap3A_118 = arith.constant 0 : index
    %swap3A_119 = arith.constant 0 : index
    %swap3A_120 = vector.load %arg10[%swap3A_117, %swap3A_118, %swap3A_119] : memref<16x21x572xf32, #tpu.memory_space<vmem>>, vector<1x21x572xf32>
    %swap3A_121 = vector.shape_cast %swap3A_120 : vector<1x21x572xf32> to vector<21x572xf32>
    %swap3A_122 = vector.shape_cast %slice3A_116 : vector<21x572xf32> to vector<1x21x572xf32>
    tpu.vector_store %arg10[%swap3A_117, %swap3A_118, %swap3A_119], %swap3A_122 {strides = array<i32>} : memref<16x21x572xf32, #tpu.memory_space<vmem>>, vector<1x21x572xf32>,
    %slice3A_123 = vector.extract_strided_slice %concatenate3A {offsets = [105, 0], sizes = [21, 572], strides = [1, 1]} : vector<336x572xf32> to vector<21x572xf32>
    %swap3A_124 = arith.constant 5 : index
    %swap3A_125 = arith.constant 0 : index
    %swap3A_126 = arith.constant 0 : index
    %swap3A_127 = vector.load %arg10[%swap3A_124, %swap3A_125, %swap3A_126] : memref<16x21x572xf32, #tpu.memory_space<vmem>>, vector<1x21x572xf32>
    %swap3A_128 = vector.shape_cast %swap3A_127 : vector<1x21x572xf32> to vector<21x572xf32>
    %swap3A_129 = vector.shape_cast %slice3A_123 : vector<21x572xf32> to vector<1x21x572xf32>
    tpu.vector_store %arg10[%swap3A_124, %swap3A_125, %swap3A_126], %swap3A_129 {strides = array<i32>} : memref<16x21x572xf32, #tpu.memory_space<vmem>>, vector<1x21x572xf32>,
    %slice3A_130 = vector.extract_strided_slice %concatenate3A {offsets = [126, 0], sizes = [21, 572], strides = [1, 1]} : vector<336x572xf32> to vector<21x572xf32>
    %swap3A_131 = arith.constant 6 : index
    %swap3A_132 = arith.constant 0 : index
    %swap3A_133 = arith.constant 0 : index
    %swap3A_134 = vector.load %arg10[%swap3A_131, %swap3A_132, %swap3A_133] : memref<16x21x572xf32, #tpu.memory_space<vmem>>, vector<1x21x572xf32>
    %swap3A_135 = vector.shape_cast %swap3A_134 : vector<1x21x572xf32> to vector<21x572xf32>
    %swap3A_136 = vector.shape_cast %slice3A_130 : vector<21x572xf32> to vector<1x21x572xf32>
    tpu.vector_store %arg10[%swap3A_131, %swap3A_132, %swap3A_133], %swap3A_136 {strides = array<i32>} : memref<16x21x572xf32, #tpu.memory_space<vmem>>, vector<1x21x572xf32>,
    %slice3A_137 = vector.extract_strided_slice %concatenate3A {offsets = [147, 0], sizes = [21, 572], strides = [1, 1]} : vector<336x572xf32> to vector<21x572xf32>
    %swap3A_138 = arith.constant 7 : index
    %swap3A_139 = arith.constant 0 : index
    %swap3A_140 = arith.constant 0 : index
    %swap3A_141 = vector.load %arg10[%swap3A_138, %swap3A_139, %swap3A_140] : memref<16x21x572xf32, #tpu.memory_space<vmem>>, vector<1x21x572xf32>
    %swap3A_142 = vector.shape_cast %swap3A_141 : vector<1x21x572xf32> to vector<21x572xf32>
    %swap3A_143 = vector.shape_cast %slice3A_137 : vector<21x572xf32> to vector<1x21x572xf32>
    tpu.vector_store %arg10[%swap3A_138, %swap3A_139, %swap3A_140], %swap3A_143 {strides = array<i32>} : memref<16x21x572xf32, #tpu.memory_space<vmem>>, vector<1x21x572xf32>,
    %slice3A_144 = vector.extract_strided_slice %concatenate3A {offsets = [168, 0], sizes = [21, 572], strides = [1, 1]} : vector<336x572xf32> to vector<21x572xf32>
    %swap3A_145 = arith.constant 8 : index
    %swap3A_146 = arith.constant 0 : index
    %swap3A_147 = arith.constant 0 : index
    %swap3A_148 = vector.load %arg10[%swap3A_145, %swap3A_146, %swap3A_147] : memref<16x21x572xf32, #tpu.memory_space<vmem>>, vector<1x21x572xf32>
    %swap3A_149 = vector.shape_cast %swap3A_148 : vector<1x21x572xf32> to vector<21x572xf32>
    %swap3A_150 = vector.shape_cast %slice3A_144 : vector<21x572xf32> to vector<1x21x572xf32>
    tpu.vector_store %arg10[%swap3A_145, %swap3A_146, %swap3A_147], %swap3A_150 {strides = array<i32>} : memref<16x21x572xf32, #tpu.memory_space<vmem>>, vector<1x21x572xf32>,
    %slice3A_151 = vector.extract_strided_slice %concatenate3A {offsets = [189, 0], sizes = [21, 572], strides = [1, 1]} : vector<336x572xf32> to vector<21x572xf32>
    %swap3A_152 = arith.constant 9 : index
    %swap3A_153 = arith.constant 0 : index
    %swap3A_154 = arith.constant 0 : index
    %swap3A_155 = vector.load %arg10[%swap3A_152, %swap3A_153, %swap3A_154] : memref<16x21x572xf32, #tpu.memory_space<vmem>>, vector<1x21x572xf32>
    %swap3A_156 = vector.shape_cast %swap3A_155 : vector<1x21x572xf32> to vector<21x572xf32>
    %swap3A_157 = vector.shape_cast %slice3A_151 : vector<21x572xf32> to vector<1x21x572xf32>
    tpu.vector_store %arg10[%swap3A_152, %swap3A_153, %swap3A_154], %swap3A_157 {strides = array<i32>} : memref<16x21x572xf32, #tpu.memory_space<vmem>>, vector<1x21x572xf32>,
    %slice3A_158 = vector.extract_strided_slice %concatenate3A {offsets = [210, 0], sizes = [21, 572], strides = [1, 1]} : vector<336x572xf32> to vector<21x572xf32>
    %swap3A_159 = arith.constant 10 : index
    %swap3A_160 = arith.constant 0 : index
    %swap3A_161 = arith.constant 0 : index
    %swap3A_162 = vector.load %arg10[%swap3A_159, %swap3A_160, %swap3A_161] : memref<16x21x572xf32, #tpu.memory_space<vmem>>, vector<1x21x572xf32>
    %swap3A_163 = vector.shape_cast %swap3A_162 : vector<1x21x572xf32> to vector<21x572xf32>
    %swap3A_164 = vector.shape_cast %slice3A_158 : vector<21x572xf32> to vector<1x21x572xf32>
    tpu.vector_store %arg10[%swap3A_159, %swap3A_160, %swap3A_161], %swap3A_164 {strides = array<i32>} : memref<16x21x572xf32, #tpu.memory_space<vmem>>, vector<1x21x572xf32>,
    %slice3A_165 = vector.extract_strided_slice %concatenate3A {offsets = [231, 0], sizes = [21, 572], strides = [1, 1]} : vector<336x572xf32> to vector<21x572xf32>
    %swap3A_166 = arith.constant 11 : index
    %swap3A_167 = arith.constant 0 : index
    %swap3A_168 = arith.constant 0 : index
    %swap3A_169 = vector.load %arg10[%swap3A_166, %swap3A_167, %swap3A_168] : memref<16x21x572xf32, #tpu.memory_space<vmem>>, vector<1x21x572xf32>
    %swap3A_170 = vector.shape_cast %swap3A_169 : vector<1x21x572xf32> to vector<21x572xf32>
    %swap3A_171 = vector.shape_cast %slice3A_165 : vector<21x572xf32> to vector<1x21x572xf32>
    tpu.vector_store %arg10[%swap3A_166, %swap3A_167, %swap3A_168], %swap3A_171 {strides = array<i32>} : memref<16x21x572xf32, #tpu.memory_space<vmem>>, vector<1x21x572xf32>,
    %slice3A_172 = vector.extract_strided_slice %concatenate3A {offsets = [252, 0], sizes = [21, 572], strides = [1, 1]} : vector<336x572xf32> to vector<21x572xf32>
    %swap3A_173 = arith.constant 12 : index
    %swap3A_174 = arith.constant 0 : index
    %swap3A_175 = arith.constant 0 : index
    %swap3A_176 = vector.load %arg10[%swap3A_173, %swap3A_174, %swap3A_175] : memref<16x21x572xf32, #tpu.memory_space<vmem>>, vector<1x21x572xf32>
    %swap3A_177 = vector.shape_cast %swap3A_176 : vector<1x21x572xf32> to vector<21x572xf32>
    %swap3A_178 = vector.shape_cast %slice3A_172 : vector<21x572xf32> to vector<1x21x572xf32>
    tpu.vector_store %arg10[%swap3A_173, %swap3A_174, %swap3A_175], %swap3A_178 {strides = array<i32>} : memref<16x21x572xf32, #tpu.memory_space<vmem>>, vector<1x21x572xf32>,
    %slice3A_179 = vector.extract_strided_slice %concatenate3A {offsets = [273, 0], sizes = [21, 572], strides = [1, 1]} : vector<336x572xf32> to vector<21x572xf32>
    %swap3A_180 = arith.constant 13 : index
    %swap3A_181 = arith.constant 0 : index
    %swap3A_182 = arith.constant 0 : index
    %swap3A_183 = vector.load %arg10[%swap3A_180, %swap3A_181, %swap3A_182] : memref<16x21x572xf32, #tpu.memory_space<vmem>>, vector<1x21x572xf32>
    %swap3A_184 = vector.shape_cast %swap3A_183 : vector<1x21x572xf32> to vector<21x572xf32>
    %swap3A_185 = vector.shape_cast %slice3A_179 : vector<21x572xf32> to vector<1x21x572xf32>
    tpu.vector_store %arg10[%swap3A_180, %swap3A_181, %swap3A_182], %swap3A_185 {strides = array<i32>} : memref<16x21x572xf32, #tpu.memory_space<vmem>>, vector<1x21x572xf32>,
    %slice3A_186 = vector.extract_strided_slice %concatenate3A {offsets = [294, 0], sizes = [21, 572], strides = [1, 1]} : vector<336x572xf32> to vector<21x572xf32>
    %swap3A_187 = arith.constant 14 : index
    %swap3A_188 = arith.constant 0 : index
    %swap3A_189 = arith.constant 0 : index
    %swap3A_190 = vector.load %arg10[%swap3A_187, %swap3A_188, %swap3A_189] : memref<16x21x572xf32, #tpu.memory_space<vmem>>, vector<1x21x572xf32>
    %swap3A_191 = vector.shape_cast %swap3A_190 : vector<1x21x572xf32> to vector<21x572xf32>
    %swap3A_192 = vector.shape_cast %slice3A_186 : vector<21x572xf32> to vector<1x21x572xf32>
    tpu.vector_store %arg10[%swap3A_187, %swap3A_188, %swap3A_189], %swap3A_192 {strides = array<i32>} : memref<16x21x572xf32, #tpu.memory_space<vmem>>, vector<1x21x572xf32>,
    %slice3A_193 = vector.extract_strided_slice %concatenate3A {offsets = [315, 0], sizes = [21, 572], strides = [1, 1]} : vector<336x572xf32> to vector<21x572xf32>
    %swap3A_194 = arith.constant 15 : index
    %swap3A_195 = arith.constant 0 : index
    %swap3A_196 = arith.constant 0 : index
    %swap3A_197 = vector.load %arg10[%swap3A_194, %swap3A_195, %swap3A_196] : memref<16x21x572xf32, #tpu.memory_space<vmem>>, vector<1x21x572xf32>
    %swap3A_198 = vector.shape_cast %swap3A_197 : vector<1x21x572xf32> to vector<21x572xf32>
    %swap3A_199 = vector.shape_cast %slice3A_193 : vector<21x572xf32> to vector<1x21x572xf32>
    tpu.vector_store %arg10[%swap3A_194, %swap3A_195, %swap3A_196], %swap3A_199 {strides = array<i32>} : memref<16x21x572xf32, #tpu.memory_space<vmem>>, vector<1x21x572xf32>,
    return
  }
  func.func @transform_0(%arg0: i32) -> (i32, i32) {
    %c0_i32 = arith.constant 0 : i32
    %c0_i32_0 = arith.constant 0 : i32
    return %arg0, %c0_i32 : i32, i32
  }
  func.func @transform_1(%arg0: i32) -> (i32, i32) {
    %c0_i32 = arith.constant 0 : i32
    %c0_i32_0 = arith.constant 0 : i32
    %c0_i32_1 = arith.constant 0 : i32
    return %c0_i32, %c0_i32_0 : i32, i32
  }
  func.func @transform_2(%arg0: i32) -> (i32, i32) {
    %c0_i32 = arith.constant 0 : i32
    %c0_i32_0 = arith.constant 0 : i32
    %c0_i32_1 = arith.constant 0 : i32
    return %c0_i32, %c0_i32_0 : i32, i32
  }
  func.func @transform_3(%arg0: i32) -> (i32, i32) {
    %c0_i32 = arith.constant 0 : i32
    %c0_i32_0 = arith.constant 0 : i32
    %c0_i32_1 = arith.constant 0 : i32
    return %c0_i32, %c0_i32_0 : i32, i32
  }
  func.func @transform_4(%arg0: i32) -> (i32, i32) {
    %c0_i32 = arith.constant 0 : i32
    %c0_i32_0 = arith.constant 0 : i32
    %c0_i32_1 = arith.constant 0 : i32
    return %c0_i32, %c0_i32_0 : i32, i32
  }
  func.func @transform_5(%arg0: i32) -> (i32, i32) {
    %c0_i32 = arith.constant 0 : i32
    %c0_i32_0 = arith.constant 0 : i32
    %c0_i32_1 = arith.constant 0 : i32
    return %c0_i32, %c0_i32_0 : i32, i32
  }
  func.func @transform_6(%arg0: i32) -> (i32, i32) {
    %c0_i32 = arith.constant 0 : i32
    %c0_i32_0 = arith.constant 0 : i32
    %c0_i32_1 = arith.constant 0 : i32
    return %c0_i32, %c0_i32_0 : i32, i32
  }
  func.func @transform_7(%arg0: i32) -> (i32, i32) {
    %c0_i32 = arith.constant 0 : i32
    %c0_i32_0 = arith.constant 0 : i32
    %c0_i32_1 = arith.constant 0 : i32
    return %c0_i32, %c0_i32_0 : i32, i32
  }
  func.func @transform_8(%arg0: i32) -> (i32, i32) {
    %c0_i32 = arith.constant 0 : i32
    %c0_i32_0 = arith.constant 0 : i32
    %c0_i32_1 = arith.constant 0 : i32
    return %c0_i32, %c0_i32_0 : i32, i32
  }
  func.func @transform_9(%arg0: i32) -> (i32, i32, i32) {
    %c0_i32 = arith.constant 0 : i32
    %c0_i32_0 = arith.constant 0 : i32
    %c0_i32_1 = arith.constant 0 : i32
    return %arg0, %c0_i32, %c0_i32_0 : i32, i32, i32
  }
}

</mosaic_0001>

<sc_bundles>
// kernel: kernel.5.cloned.1.call-start
scs
__scs_entry_jumppad:
0x0: {  	(pc) =	sbr.rel $0x88, $3  }
0x1: {  	(tag) =	ssettag $0x0;
	lr =	simm.s32 $0x1  }
0x2: {  	[smem:$0x3F92] =	sst lr;
	_ =	strace $0xD0000000  }
0x3: {  	_ = 	snop  }
0x4: {  	_ = 	snop  }
0x5: {  	_ = 	snop  }
0x6: {  	_ = 	snop  }
0x7: {  	_ = 	snop  }
__scs_overlays_trampoline_lowered:
0x8: {  	[smem:$0x3FA1] =	sst s0  }
0x9: {  	[smem:$0x3FA2] =	sst s1  }
0xa: {  	[smem:$0x3FA3] =	sst s2  }
0xb: {  	[smem:$0x3FA4] =	sst s3  }
0xc: {  	[smem:$0x3FA5] =	sst s4  }
0xd: {  	[smem:$0x3FA6] =	sst s5  }
0xe: {  	[smem:$0x3FA7] =	sst s6  }
0xf: {  	[smem:$0x3FA8] =	sst s7  }
0x10: {  	[smem:$0x3FA9] =	sst s8  }
0x11: {  	[smem:$0x3FAA] =	sst s9;
	s0 =	simm.s32 @!p0 $0x0  }
0x12: {  	s1 =	sld [smem:$0x3F90];
	s0 =	simm.s32 @p0 $0x1  }
0x13: {  	[smem:$0x3FAB] =	sst s0;
	s0 =	simm.s32 @!p1 $0x0  }
0x14: {  	s2 =	sld [smem:$0x3F8F];
	s0 =	simm.s32 @p1 $0x1  }
0x15: {  	[smem:$0x3FAC] =	sst s0;
	s0 =	simm.s32 @!p2 $0x0  }
0x16: {  	s3 =	sld [smem:$0x3FDB];
	s0 =	simm.s32 @p2 $0x1  }
0x17: {  	s4 =	simm.s32 $0x1BF5;
	[smem:$0x3FAE] =	sst s0  }
0x18: {  	s0 =	sld [smem:$0x3F91];
	_ =	swait.ge [sflag:s4], $0x0  }
0x19: {  	s7 =	sld [smem:$0x3F92]  }
0x1a: {  	s8 =	sadd.s32 $0xFFFFE003, lr  }
0x1b: {  	s9 =	sadd.s32 $0xFFFFFEF7, lr;
	s5 =	simm.s32 $0xFFFFFFFF;
	p2 =	slt.u32 s8, $0xFFFFF086  }
0x1c: {  	p1 =	slt.u32 s9, $0xF7A;
	s5 =	simm.s32 @!p2 $0x0  }
0x1d: {  	s5 =	simm.s32 @p1 $0x1;
	p0 =	seq.s32 s7, s2  }
0x1e: {  	s7 =	smul.u32 @!p0 $0xF7A, s2;
	p2 =	seq.s32 @!p0 s5, $0x0  }
0x1f: {  	s9 =	smul.u32 $0xF7A, s1;
	s8 =	simm.s32 @!p0 $0x1BF5;
	p2 =	por !p2, p0  }
0x20: {  	[sflag:s8] =	ssyncset.s32 @!p0 $0xFFFFF086;
	s6 =	sadd.s32 @!p0 s3, s7;
	s7 =	simm.s32 @!p0 $0x108  }
0x21: {  	s3 =	sadd.s32 s3, s9;
	s6 =	sadd.s32 @!p0 $0x88, s6;
	s7 =	simm.s32 @p2 $0x1082  }
0x22: {  	[simem:s7], [sflag:s8] =	dma.local @!p0 [hbm:s6], $0xF7A  }
0x23: {  	s9 =	sor.u32 $0xD0000000, s2;
	s6 =	simm.s32 $0x108;
	_ =	swait.ge @!p0 [sflag:s8], $0x0  }
0x24: {  	s3 =	sadd.s32 $0x88, s3;
	s6 =	simm.s32 @!p1 $0x1082;
	[sflag:s4] =	ssyncset.s32 $0xFFFFF086  }
0x25: {  	[simem:s6], [sflag:s4] =	dma.local [hbm:s3], $0xF7A  }
0x26: {  	[smem:$0x3F92] =	sst s1;
	(tag) =	ssettag s2;
	_ =	strace s9  }
0x27: {  	s1 =	sld [smem:$0x3FA2]  }
0x28: {  	s2 =	sld [smem:$0x3FA3]  }
0x29: {  	s4 =	sld [smem:$0x3FA5]  }
0x2a: {  	p0 =	seq.s32 s5, $0x0;
	s5 =	sld [smem:$0x3FA6]  }
0x2b: {  	s6 =	sld [smem:$0x3FA7]  }
0x2c: {  	s7 =	sld [smem:$0x3FA8]  }
0x2d: {  	s3 =	simm.s32 $0x108;
	s8 =	sld [smem:$0x3FA9]  }
0x2e: {  	s3 =	simm.s32 @!p0 $0x1082;
	s9 =	sld [smem:$0x3FAA]  }
0x2f: {  	lr =	sadd.s32 s0, s3;
	s0 =	sld [smem:$0x3FA1]  }
0x30: {  	s3 =	sld [smem:$0x3FA4]  }
0x31: {  	[smem:$0x3FAD] =	sst s10  }
0x32: {  	s10 =	sld [smem:$0x3FAB];
	_ =	sdelay $0x3  }
0x33: {  	p0 =	seq.s32 s10, $0x1;
	s10 =	sld [smem:$0x3FAD];
	_ =	sdelay $0x3  }
0x34: {  	[smem:$0x3FAD] =	sst s10  }
0x35: {  	s10 =	sld [smem:$0x3FAC];
	_ =	sdelay $0x3  }
0x36: {  	p1 =	seq.s32 s10, $0x1;
	s10 =	sld [smem:$0x3FAD];
	_ =	sdelay $0x3  }
0x37: {  	[smem:$0x3FAD] =	sst s10  }
0x38: {  	s10 =	sld [smem:$0x3FAE]  }
0x39: {  	_ = 	snop;
	(pc) =	sbr.ind lr, $3  }
0x3a: {  	_ = 	snop  }
0x3b: {  	_ = 	snop  }
0x3c: {  	p2 =	seq.s32 s10, $0x1;
	s10 =	sld [smem:$0x3FAD]  }
0x3d: {  	_ =	shalt  }
0x3e: {  	_ =	shalt  }
0x3f: {  	_ =	shalt  }
0x40: {  	_ =	shalt  }
0x41: {  	_ =	shalt  }
0x42: {  	_ =	shalt  }
0x43: {  	_ =	shalt  }
0x44: {  	_ =	shalt  }
0x45: {  	_ =	shalt  }
0x46: {  	_ =	shalt  }
0x47: {  	_ =	shalt  }
0x48: {  	_ =	shalt  }
0x49: {  	_ =	shalt  }
0x4a: {  	_ =	shalt  }
0x4b: {  	_ =	shalt  }
0x4c: {  	_ =	shalt  }
0x4d: {  	_ =	shalt  }
0x4e: {  	_ =	shalt  }
0x4f: {  	_ =	shalt  }
0x50: {  	_ =	shalt  }
0x51: {  	_ =	shalt  }
0x52: {  	_ =	shalt  }
0x53: {  	_ =	shalt  }
0x54: {  	_ =	shalt  }
0x55: {  	_ =	shalt  }
0x56: {  	_ =	shalt  }
0x57: {  	_ =	shalt  }
0x58: {  	_ =	shalt  }
0x59: {  	_ =	shalt  }
0x5a: {  	_ =	shalt  }
0x5b: {  	_ =	shalt  }
0x5c: {  	_ =	shalt  }
0x5d: {  	_ =	shalt  }
0x5e: {  	_ =	shalt  }
0x5f: {  	_ =	shalt  }
0x60: {  	_ =	shalt  }
0x61: {  	_ =	shalt  }
0x62: {  	_ =	shalt  }
0x63: {  	_ =	shalt  }
0x64: {  	_ =	shalt  }
0x65: {  	_ =	shalt  }
0x66: {  	_ =	shalt  }
0x67: {  	_ =	shalt  }
0x68: {  	_ =	shalt  }
0x69: {  	_ =	shalt  }
0x6a: {  	_ =	shalt  }
0x6b: {  	_ =	shalt  }
0x6c: {  	_ =	shalt  }
0x6d: {  	_ =	shalt  }
0x6e: {  	_ =	shalt  }
0x6f: {  	_ =	shalt  }
0x70: {  	_ =	shalt  }
0x71: {  	_ =	shalt  }
0x72: {  	_ =	shalt  }
0x73: {  	_ =	shalt  }
0x74: {  	_ =	shalt  }
0x75: {  	_ =	shalt  }
0x76: {  	_ =	shalt  }
0x77: {  	_ =	shalt  }
0x78: {  	_ =	shalt  }
0x79: {  	_ =	shalt  }
0x7a: {  	_ =	shalt  }
0x7b: {  	_ =	shalt  }
0x7c: {  	_ =	shalt  }
0x7d: {  	_ =	shalt  }
0x7e: {  	_ =	shalt  }
0x7f: {  	_ =	shalt  }
0x80: {  	_ =	shalt  }
0x81: {  	_ =	shalt  }
0x82: {  	_ =	shalt  }
0x83: {  	_ =	shalt  }
0x84: {  	_ =	shalt  }
0x85: {  	_ =	shalt  }
0x86: {  	_ =	shalt  }
0x87: {  	_ =	shalt  }
.Lfunc_end0:
.L_simem_size_0:
called_computation_lowered:
.L_overlay_start_0:
0x88: {  	s2 =	sld [smem:$0x3FD9]  }
0x89: {  	s3 =	sld [smem:$0x3FFE];
	_ =	sdelay $0x1  }
0x8a: {  	s1 =	srdreg.scid  }
0x8b: {  	s0 =	sand.u32 $0x1, s1  }
0x8c: {  	s17 =	sshll.u32 s0, $0xA;
	s2 =	sadd.s32 s3, s2  }
0x8d: {  	s2 =	sadd.s32 s2, s17  }
0x8e: {  	[smem:$0x3FB9] =	sst s2  }
0x8f: {  	_ = 	snop  }
0x90: {  	s2 =	sld [smem:$0x3FD0];
	(tm) =	ssettm $0x1  }
0x91: {  	s18 =	sld [smem:$0x3FFB];
	_ =	sdelay $0x3  }
0x92: {  	_ =	strace s18  }
0x93: {  	s3 =	sld [smem:$0x3FFC];
	_ =	sdelay $0x3  }
0x94: {  	_ =	strace s3  }
0x95: {  	s3 =	sld [smem:$0x3FFD];
	_ =	sdelay $0x3  }
0x96: {  	_ =	strace s3  }
0x97: {  	_ =	strace $0x8FFFFFFF  }
0x98: {  	s19 =	sld [smem:$0x3FDB];
	_ =	sdelay $0x1  }
0x99: {  	s4 =	simm.s32 $_scs_section_size  }
0x9a: {  	s5 =	simm.s32 $_size__tile_overlayer_lowered;
	s6 =	simm.s32 $_tile_overlayer_lowered  }
0x9b: {  	s22 =	simm.s32 $0x1BFF;
	s21 =	sshll.u32 s6, $0x1;
	s3 =	sadd.s32 s4, s19  }
0x9c: {  	s7 =	simm.s32 $0x0;
	s20 =	sshll.u32 s5, $0x1;
	s5 =	sadd.s32 s21, s3  }
0x9d: {  	[timem:s7], [sflag:s22] =	dma.local [hbm:s5], s20  }
0x9e: {  	_ =	swait.ge [sflag:s22], s20  }
0x9f: {  	s4 =	ssub.s32 $0x0, s20;
	[sflag:s22] =	ssyncset.done $0x0  }
0xa0: {  	[sflag:s22] =	ssyncadd.s32 s4;
	_ =	sdelay $0x1  }
0xa1: {  	s23 =	simm.s32 $0x1B8B  }
0xa2: {  	_ =	swait.ge [sflag:s23], $0x1  }
0xa3: {  	[sflag:s23] =	ssyncset.done $0x0  }
0xa4: {  	s25 =	simm.s32 $0x1B8E;
	s24 =	sld [smem:$0x3FFE];
	[sflag:s23] =	ssyncadd.s32 $0xFFFFFFFF  }
0xa5: {  	s26 =	simm.s32 $execute0_lowered;
	[smem:$0x3FD2] =	sst s25  }
0xa6: {  	s5 =	sshll.u32 s26, $0x1;
	_ =	strace $0x80000046;
	[dreg:$0x1] =	wrdreg $0xFFFFFFFF  }
0xa7: {  	s28 =	simm.s32 $_size_execute0_lowered;
	s3 =	sadd.s32 s3, s5;
	[dreg:$0x0] =	wrdreg $0x0  }
0xa8: {  	s5 =	sshll.u32 s28, $0x1;
	[dreg:$0x2] =	wrdreg s3  }
0xa9: {  	[dreg:$0x3] =	wrdreg s5  }
0xaa: {  	[dreg:$0x4] =	wrdreg $0xC0  }
0xab: {  	_ =	task [dreg:s7], $0x5FFFF  }
0xac: {  	[dreg:$0x1] =	wrdreg $0xFFFFFFFF  }
0xad: {  	[dreg:$0x0] =	wrdreg $0x60  }
0xae: {  	[dreg:$0x2] =	wrdreg s24  }
0xaf: {  	[dreg:$0x3] =	wrdreg s2  }
0xb0: {  	[dreg:$0x4] =	wrdreg $0x9  }
0xb1: {  	_ =	task.clear_ibuf [dreg:s7], $0x5FFFF;
	_ =	strace $0x90000046  }
0xb2: {  	s29 =	simm.s32 $0x9;
	_ =	strace $0x80000048  }
0xb3: {  	_ =	swait.ge [sflag:s29], $0x1  }
0xb4: {  	[sflag:s29] =	ssyncadd.s32 $0xFFFFFFFF  }
0xb5: {  	_ =	strace $0x90000048  }
0xb6: {  	_ =	sfence  }
0xb7: {  	s30 =	sld [smem:$0x0];
	_ =	sdelay $0x2  }
0xb8: {  	s31 =	sshll.u32 s1, $0xD;
	s1 =	sshrl.u32 s1, $0x2  }
0xb9: {  	s3 =	sand.u32 $0x4000, s31;
	s1 =	sadd.s32 s1, s30  }
0xba: {  	s0 =	sor.u32 s3, s0;
	s1 =	sshll.u32 s1, $0x11  }
0xbb: {  	s0 =	sor.u32 s1, s0  }
0xbc: {  	s0 =	sadd.s32 $0x8F2B, s0  }
0xbd: {  	[sflag:s0] =	ssyncadd.remote.s32 $0x1  }
0xbe: {  	_ =	sfence.sel $0xFFFF  }
0xbf: {  	[dreg:$0x0] =	wrdreg $0xFFFFFFFF;
	(pc) =	sbr.abs _section_cstart, $3  }
0xc0: {  	[dreg:$0x1] =	wrdreg $0xFFFFFFFF  }
0xc1: {  	_ =	task.clear_ibuf [dreg:s7], $0x2FFFF;
	_ =	strace $0x9FFFFFFF  }
0xc2: {  	(tm) =	ssettm $0x7FFFFFFF  }
0xc3: {  	_ =	shalt  }
tec
execute0_lowered:
.L_overlay_start_1:
0x0: {  	(tag) =	ssettag $0x1  }
0x1: {  	s4 =	rddreg [dreg:$0x0]  }
0x2: {  	s5 =	rddreg [dreg:$0x1]  }
0x3: {  	s0 =	rddreg [dreg:$0x2];
	s3 =	srdreg.scid  }
0x4: {  	s1 =	stileid.u32;
	s2 =	simm.s32 $0x0;
	s11 =	simm.s32 $0x1880  }
0x5: {  	s12 =	simm.s32 $0x2080;
	s13 =	simm.s32 $0x2880;
	s14 =	simm.s32 $0x3080  }
0x6: {  	s15 =	simm.s32 $0x3880;
	s16 =	simm.s32 $0x4080;
	s17 =	simm.s32 $0x4880  }
0x7: {  	s18 =	simm.s32 $0x5080;
	s19 =	simm.s32 $0x5880;
	s20 =	simm.s32 $0x6080  }
0x8: {  	s21 =	simm.s32 $0x6880;
	s22 =	simm.s32 $0x7080;
	s23 =	simm.s32 $0x7880  }
0x9: {  	s24 =	simm.s32 $0x1;
	s25 =	simm.s32 $0x0;
	s7 =	smul.u32 $0x1500, s1  }
0xa: {  	s6 =	sand.u32 $0x1, s3;
	[smem:$0x7FF] =	sst s2;
	s10 =	smul.u32 $0x2A000, s1  }
0xb: {  	s3 =	sadd.s32 $0xF46C00, s4;
	s8 =	smul.u32 $0xA80, s6;
	s9 =	ssub.s32 $0x2, s6  }
0xc: {  	_ =	strace $0x80000047;
	s6 =	smul.u32 $0x15000, s6;
	s31 =	sshrl.u32 s9, $0x1  }
0xd: {  	s5 =	sadd.s32 s10, s5;
	s10 =	simm.s32 $0x1080;
	s7 =	sadd.s32 s8, s7  }
0xe: {  	v2 =	vlaneseq.u32;
	s8 =	ssub.s32 s9, s31;
	s5 =	sadd.s32 s6, s5;
	s7 =	sshrl.u32 s7, $0x3  }
0xf: {  	vm0 =	vmmov $0xffff;
	v1 =	vshrl.u32 v2, $0x3;
	s9 =	simm.s32 $0x880;
	s7 =	sadd.s32 s7, s4;
	s4 =	smax.u32 s8, $0x1  }
0x10: {  	v0 =	vand.u32 $0x7, v2;
	v2 =	vor.u32 $0x8, v2;
	v1 =	vmul.u32 $0x8, v1;
	s8 =	simm.s32 $0x80;
	s6 =	sadd.s32 $0xF44200, s7;
	s7 =	simm.s32 $0x2  }
.LBB2_1:
0x11: {  	s26 =	smov.u32 s5;
	s28 =	simm.s32 $0x0  }
.LBB2_2:
0x12: {  	s29 =	sadd.s32 s28, s6  }
0x13: {  	[tilespmem:s2], [sflag:$0x2] =	stream.linear.gather [hbm4b:s29+s2], $0x80, $0x38;
	[tilespmem:$0x8080] =	vst v63  }
0x14: {  	_ =	swait.ge [sflag:s7], $0x80  }
0x15: {  	[sflag:s7] =	ssyncset.done $0x0  }
0x16: {  	[sflag:s7] =	ssyncadd.s32 $0xFFFFFF80  }
0x17: {  	v3 =	vld [tilespmem:$0x0];
	_ =	sdelay $0x4  }
0x18: {  	v4 =	vshll.u32 v3, $0x1  }
0x19: {  	v3 =	vand.u32 $0x7, v3;
	v4 =	vand.u32 $0xFFFFFFF0, v4  }
0x1a: {  	v3 =	vor.u32 v3, v4  }
0x1b: {  	v4 =	vperm.xlane v3, v0;
	_ =	sdelay $0x1  }
0x1c: {  	v3 =	vperm.xlane v3, v2;
	v4 =	vadd.s32 v1, v4;
	_ =	sdelay $0x1  }
0x1d: {  	v3 =	vadd.s32 v1, v3;
	_ =	sdelay $0x2  }
0x1e: {  	[tilespmem:s8], [sflag:$0x1] =	stream.indirect_vreg.gather [hbm4b:s3+s2], $0x80, v4, vm0, $0xb8;
	[tilespmem:$0x8080] =	vst v63  }
0x1f: {  	_ = 	snop  }
0x20: {  	[tilespmem:s9], [sflag:$0x1] =	stream.indirect_vreg.gather [hbm4b:s3+s2], $0x80, v3, vm0, $0xb8;
	[tilespmem:$0x8080] =	vst v63  }
0x21: {  	v3 =	vld [tilespmem:$0x10];
	_ =	sdelay $0x4  }
0x22: {  	v57 =	vshll.u32 v3, $0x1  }
0x23: {  	v3 =	vand.u32 $0x7, v3;
	v4 =	vand.u32 $0xFFFFFFF0, v57  }
0x24: {  	v3 =	vor.u32 v3, v4  }
0x25: {  	v4 =	vperm.xlane v3, v0;
	_ =	sdelay $0x1  }
0x26: {  	v3 =	vperm.xlane v3, v2;
	v4 =	vadd.s32 v1, v4;
	_ =	sdelay $0x1  }
0x27: {  	v3 =	vadd.s32 v1, v3;
	_ =	sdelay $0x2  }
0x28: {  	[tilespmem:s10], [sflag:$0x1] =	stream.indirect_vreg.gather [hbm4b:s3+s2], $0x80, v4, vm0, $0xb8;
	[tilespmem:$0x8080] =	vst v63  }
0x29: {  	_ = 	snop  }
0x2a: {  	[tilespmem:s11], [sflag:$0x1] =	stream.indirect_vreg.gather [hbm4b:s3+s2], $0x80, v3, vm0, $0xb8;
	[tilespmem:$0x8080] =	vst v63  }
0x2b: {  	v3 =	vld [tilespmem:$0x20];
	_ =	sdelay $0x4  }
0x2c: {  	v58 =	vshll.u32 v3, $0x1  }
0x2d: {  	v3 =	vand.u32 $0x7, v3;
	v4 =	vand.u32 $0xFFFFFFF0, v58  }
0x2e: {  	v3 =	vor.u32 v3, v4  }
0x2f: {  	v4 =	vperm.xlane v3, v0;
	_ =	sdelay $0x1  }
0x30: {  	v3 =	vperm.xlane v3, v2;
	v4 =	vadd.s32 v1, v4;
	_ =	sdelay $0x1  }
0x31: {  	v3 =	vadd.s32 v1, v3;
	_ =	sdelay $0x2  }
0x32: {  	[tilespmem:s12], [sflag:$0x1] =	stream.indirect_vreg.gather [hbm4b:s3+s2], $0x80, v4, vm0, $0xb8;
	[tilespmem:$0x8080] =	vst v63  }
0x33: {  	_ = 	snop  }
0x34: {  	[tilespmem:s13], [sflag:$0x1] =	stream.indirect_vreg.gather [hbm4b:s3+s2], $0x80, v3, vm0, $0xb8;
	[tilespmem:$0x8080] =	vst v63  }
0x35: {  	v3 =	vld [tilespmem:$0x30];
	_ =	sdelay $0x4  }
0x36: {  	v59 =	vshll.u32 v3, $0x1  }
0x37: {  	v3 =	vand.u32 $0x7, v3;
	v4 =	vand.u32 $0xFFFFFFF0, v59  }
0x38: {  	v3 =	vor.u32 v3, v4  }
0x39: {  	v4 =	vperm.xlane v3, v0;
	_ =	sdelay $0x1  }
0x3a: {  	v3 =	vperm.xlane v3, v2;
	v4 =	vadd.s32 v1, v4;
	_ =	sdelay $0x1  }
0x3b: {  	v3 =	vadd.s32 v1, v3;
	_ =	sdelay $0x2  }
0x3c: {  	[tilespmem:s14], [sflag:$0x1] =	stream.indirect_vreg.gather [hbm4b:s3+s2], $0x80, v4, vm0, $0xb8;
	[tilespmem:$0x8080] =	vst v63  }
0x3d: {  	_ = 	snop  }
0x3e: {  	[tilespmem:s15], [sflag:$0x1] =	stream.indirect_vreg.gather [hbm4b:s3+s2], $0x80, v3, vm0, $0xb8;
	[tilespmem:$0x8080] =	vst v63  }
0x3f: {  	v3 =	vld [tilespmem:$0x40];
	_ =	sdelay $0x4  }
0x40: {  	v60 =	vshll.u32 v3, $0x1  }
0x41: {  	v3 =	vand.u32 $0x7, v3;
	v4 =	vand.u32 $0xFFFFFFF0, v60  }
0x42: {  	v3 =	vor.u32 v3, v4  }
0x43: {  	v4 =	vperm.xlane v3, v0;
	_ =	sdelay $0x1  }
0x44: {  	v3 =	vperm.xlane v3, v2;
	v4 =	vadd.s32 v1, v4;
	_ =	sdelay $0x1  }
0x45: {  	v3 =	vadd.s32 v1, v3;
	_ =	sdelay $0x2  }
0x46: {  	[tilespmem:s16], [sflag:$0x1] =	stream.indirect_vreg.gather [hbm4b:s3+s2], $0x80, v4, vm0, $0xb8;
	[tilespmem:$0x8080] =	vst v63  }
0x47: {  	_ = 	snop  }
0x48: {  	[tilespmem:s17], [sflag:$0x1] =	stream.indirect_vreg.gather [hbm4b:s3+s2], $0x80, v3, vm0, $0xb8;
	[tilespmem:$0x8080] =	vst v63  }
0x49: {  	v3 =	vld [tilespmem:$0x50];
	_ =	sdelay $0x4  }
0x4a: {  	v61 =	vshll.u32 v3, $0x1  }
0x4b: {  	v3 =	vand.u32 $0x7, v3;
	v4 =	vand.u32 $0xFFFFFFF0, v61  }
0x4c: {  	v3 =	vor.u32 v3, v4  }
0x4d: {  	v4 =	vperm.xlane v3, v0;
	_ =	sdelay $0x1  }
0x4e: {  	v3 =	vperm.xlane v3, v2;
	v4 =	vadd.s32 v1, v4;
	_ =	sdelay $0x1  }
0x4f: {  	v3 =	vadd.s32 v1, v3;
	_ =	sdelay $0x2  }
0x50: {  	[tilespmem:s18], [sflag:$0x1] =	stream.indirect_vreg.gather [hbm4b:s3+s2], $0x80, v4, vm0, $0xb8;
	[tilespmem:$0x8080] =	vst v63  }
0x51: {  	_ = 	snop  }
0x52: {  	[tilespmem:s19], [sflag:$0x1] =	stream.indirect_vreg.gather [hbm4b:s3+s2], $0x80, v3, vm0, $0xb8;
	[tilespmem:$0x8080] =	vst v63  }
0x53: {  	v3 =	vld [tilespmem:$0x60];
	_ =	sdelay $0x4  }
0x54: {  	v62 =	vshll.u32 v3, $0x1  }
0x55: {  	v3 =	vand.u32 $0x7, v3;
	v4 =	vand.u32 $0xFFFFFFF0, v62  }
0x56: {  	v3 =	vor.u32 v3, v4  }
0x57: {  	v4 =	vperm.xlane v3, v0;
	_ =	sdelay $0x1  }
0x58: {  	v3 =	vperm.xlane v3, v2;
	v4 =	vadd.s32 v1, v4;
	_ =	sdelay $0x1  }
0x59: {  	v3 =	vadd.s32 v1, v3;
	_ =	sdelay $0x2  }
0x5a: {  	[tilespmem:s20], [sflag:$0x1] =	stream.indirect_vreg.gather [hbm4b:s3+s2], $0x80, v4, vm0, $0xb8;
	[tilespmem:$0x8080] =	vst v63  }
0x5b: {  	_ = 	snop  }
0x5c: {  	[tilespmem:s21], [sflag:$0x1] =	stream.indirect_vreg.gather [hbm4b:s3+s2], $0x80, v3, vm0, $0xb8;
	[tilespmem:$0x8080] =	vst v63  }
0x5d: {  	v3 =	vld [tilespmem:$0x70];
	_ =	sdelay $0x4  }
0x5e: {  	v63 =	vshll.u32 v3, $0x1  }
0x5f: {  	v3 =	vand.u32 $0x7, v3;
	v4 =	vand.u32 $0xFFFFFFF0, v63  }
0x60: {  	v3 =	vor.u32 v3, v4  }
0x61: {  	v4 =	vperm.xlane v3, v0;
	_ =	sdelay $0x1  }
0x62: {  	v3 =	vperm.xlane v3, v2;
	v4 =	vadd.s32 v1, v4;
	_ =	sdelay $0x1  }
0x63: {  	v3 =	vadd.s32 v1, v3;
	_ =	sdelay $0x2  }
0x64: {  	[tilespmem:s22], [sflag:$0x1] =	stream.indirect_vreg.gather [hbm4b:s3+s2], $0x80, v4, vm0, $0xb8;
	[tilespmem:$0x8080] =	vst v63  }
0x65: {  	_ = 	snop  }
0x66: {  	[tilespmem:s23], [sflag:$0x1] =	stream.indirect_vreg.gather [hbm4b:s3+s2], $0x80, v3, vm0, $0xb8;
	[tilespmem:$0x8080] =	vst v63  }
0x67: {  	_ =	swait.ge [sflag:s24], $0x8000  }
0x68: {  	p0 =	sne.s32 s28, $0x140;
	[sflag:s24] =	ssyncset.done $0x0  }
.Ltmp0:
0x69: {  	[sflag:s24] =	ssyncadd.s32 $0xFFFF8000;
	(pc) =	sbr.rel @p0 .LBB2_2-.Ltmp0, $4  }
0x6a: {  	[hbm4b:s26+s2] =	stream.linear.scatter [tilespmem:s8], [sflag:$0x2], $0x8000, $0x38;
	[tilespmem:$0x8080] =	vst v63  }
0x6b: {  	_ =	swait.ge [sflag:s7], $0x8000  }
0x6c: {  	[sflag:s7] =	ssyncset.done $0x0  }
0x6d: {  	s28 =	sadd.s32 $0x10, s28;
	s26 =	sadd.s32 $0x1000, s26;
	[sflag:s7] =	ssyncadd.s32 $0xFFFF8000  }
0x6e: {  	s25 =	sadd.s32 $0x1, s25  }
0x6f: {  	p0 =	sne.s32 s25, s4  }
.Ltmp1:
0x70: {  	_ = 	snop;
	(pc) =	sbr.rel @p0 .LBB2_1-.Ltmp1, $1  }
0x71: {  	_ =	sdelay $0x3  }
0x72: {  	_ =	sfence.sel $0x180000  }
0x73: {  	[bflag:$0x0] =	sbarrier.arrive $0xFFFF  }
0x74: {  	p0 =	sne.s32 s1, $0x0;
	_ =	strace $0x90000047  }
0x75: {  	s0 =	sadd.s32 @!p0 $0x100000, s0;
	[bflag:$0x2] =	sbarrier.arrive $0xFFFF  }
0x76: {  	[sflag:s0] =	ssyncadd.tile.s32 @!p0 $0x1;
	_ =	shalt  }
.Lfunc_end2:
_tile_overlayer_lowered:
.L_overlay_start_2:
0x77: {  	(tag) =	ssettag $0x2  }
0x78: {  	s0 =	rddreg [dreg:$0x0];
	s2 =	stileid.u32  }
0x79: {  	s1 =	rddreg [dreg:$0x1];
	p0 =	sne.s32 s2, $0x0  }
0x7a: {  	s3 =	rddreg [dreg:$0x2];
	[bflag:$0x3] =	sbarrier.arrive $0xFFFF;
	s2 =	simm.s32 @!p0 $0x1C02  }
0x7b: {  	[timem:s3], [sflag:s2] =	dma.local @!p0 [hbm:s0], s1  }
0x7c: {  	s0 =	simm.s32 @!p0 $0x2  }
0x7d: {  	_ =	swait.ge @!p0 [sflag:s0], s1  }
0x7e: {  	s1 =	ssub.s32 @!p0 $0x0, s1;
	[sflag:s0] =	ssyncset.done @!p0 $0x0  }
0x7f: {  	[sflag:s0] =	ssyncadd.s32 @!p0 s1  }
0x80: {  	[bflag:$0x3] =	sbarrier.arrive $0xFFFF  }
0x81: {  	_ =	shalt  }

</sc_bundles>
